<compile_context>
chip_gen: v7x
topology: tpu7x:2x2x1
jax: 0.10.2.dev20260603
libtpu: 0.0.44.dev20260713+nightly
codegen_flags: <defaults>
</compile_context>

<pallas_src>
import functools

import jax
import jax.numpy as jnp
from jax import lax
from jax.experimental import pallas as pl
from jax.experimental.pallas import tpu as pltpu
from jax.experimental.pallas import tpu_sc as plsc

_NSC = 2
_CH = 512


@functools.lru_cache(maxsize=None)
def _build(n, d):
    rows_c = n // _NSC
    n_chunks = rows_c // _CH
    mesh = plsc.ScalarSubcoreMesh(axis_name="c", num_cores=_NSC)

    @functools.partial(
        pl.kernel,
        mesh=mesh,
        out_type=jax.ShapeDtypeStruct((n, d), jnp.float32),
        scratch_types=[
            pltpu.VMEM_SHARED((rows_c, d), jnp.float32),
            pltpu.VMEM_SHARED((1, d), jnp.float32),
            pltpu.SMEM((16,), jnp.int32),
            pltpu.SemaphoreType.DMA((n_chunks,)),
            pltpu.SemaphoreType.DMA,
            pltpu.SemaphoreType.DMA,
        ],
    )
    def k(table_hbm, clamp_hbm, out_hbm, buf, fixbuf, smem,
          isems, osem, csem):
        cid = lax.axis_index("c")
        base = cid * rows_c
        cc = pltpu.async_copy(clamp_hbm, smem, csem)
        ins = [
            pltpu.async_copy(
                table_hbm.at[pl.ds(base + j * _CH, _CH)],
                buf.at[pl.ds(j * _CH, _CH)],
                isems.at[j],
            )
            for j in range(n_chunks)
        ]
        outs = []
        for j in range(n_chunks):
            ins[j].wait()
            outs.append(pltpu.async_copy(
                buf.at[pl.ds(j * _CH, _CH)],
                out_hbm.at[pl.ds(base + j * _CH, _CH)],
                osem,
            ))
        for c in outs:
            c.wait()
        cc.wait()
        clamp_s = smem[0]

        @pl.when(clamp_s < base + rows_c - 1)
        def _tail():
            pltpu.sync_copy(table_hbm.at[pl.ds(clamp_s, 1)], fixbuf)

            def _fix(r, carry):
                pltpu.sync_copy(fixbuf, out_hbm.at[pl.ds(r, 1)])
                return carry

            lax.fori_loop(jnp.maximum(clamp_s + 1, base), base + rows_c,
                          _fix, 0)

    return k


def kernel(seq_len, table):
    n, d = table.shape
    clamp_val = jnp.maximum(jnp.asarray(seq_len, jnp.int32) - 1, 0)
    clamp = jnp.broadcast_to(clamp_val, (16,))
    return _build(n, d)(table, clamp)

# --- scband reference (transcript-rebuilt; emitter-appended) ---
"""Pipeline reference for scband-positional-embeddings-48146583388550 (READ-ONLY COPY).

The authoritative reference and input builder live on the scoring server;
editing this copy changes nothing except your own understanding.
"""

import jax, jax.numpy as jnp
import numpy as np

MAX_SEQ_LEN = 8192
EMB_SIZE = 128

def setup_inputs(seed: int = 0) -> dict:
    key = jax.random.key(seed)
    table = jax.random.normal(key, (MAX_SEQ_LEN, EMB_SIZE), dtype=jnp.float32)
    seq_len = 8192  # python int scalar forward arg
    return {"seq_len": seq_len, "table": table}

def reference(seq_len, table):
    # Faithful translation: seq = arange(seq_len); return embeddings(seq)
    seq = jnp.minimum(jnp.arange(table.shape[0]), seq_len - 1)
    return jnp.take(table, seq, axis=0)

if __name__ == "__main__":
    import jax
    _d = setup_inputs()
    print(jax.jit(kernel)(*tuple(_d.values())))

</pallas_src>

<mosaic_0001>
#map = affine_map<(d0) -> (0, 0)>
#map1 = affine_map<(d0) -> (0)>
module attributes {stable_mosaic.version = 14 : i64} {
  func.func @k(%arg0: i32, %arg1: memref<8192x128xf32, #tpu.memory_space<hbm>>, %arg2: memref<16xi32, #tpu.memory_space<hbm>>, %arg3: memref<8192x128xf32, #tpu.memory_space<hbm>>, %arg4: memref<4096x128xf32, #tpu.memory_space<vmem_shared>>, %arg5: memref<1x128xf32, #tpu.memory_space<vmem_shared>>, %arg6: memref<16xi32, #tpu.memory_space<smem>>, %arg7: memref<8x!tpu.dma_semaphore, #tpu.memory_space<semaphore_mem>>, %arg8: memref<!tpu.dma_semaphore, #tpu.memory_space<semaphore_mem>>, %arg9: memref<!tpu.dma_semaphore, #tpu.memory_space<semaphore_mem>>) attributes {dimension_semantics = [#tpu.dimension_semantics<core_parallel>], iteration_bounds = array<i64: 2>, scalar_prefetch = 0 : i64, scratch_operands = 6 : i64, tpu.core_type = #tpu.core_type<sc_scalar_subcore>, window_params = [{transform_indices = #map}, {transform_indices = #map1}, {transform_indices = #map}]} {
    %mul3A = arith.constant 4096 : i32
    %mul3A_0 = arith.muli %arg0, %mul3A : i32
    tpu.enqueue_dma source(%arg2 : memref<16xi32, #tpu.memory_space<hbm>>) target(%arg6 : memref<16xi32, #tpu.memory_space<smem>>) target_semaphore(%arg9 : memref<!tpu.dma_semaphore, #tpu.memory_space<semaphore_mem>>)
    %add3A = arith.constant 0 : i32
    %add3A_1 = arith.addi %mul3A_0, %add3A : i32
    %dma_start3A = arith.constant 0 : i32
    %dma_start3A_2 = tpu.memref_slice %arg7[%dma_start3A] : memref<8x!tpu.dma_semaphore, #tpu.memory_space<semaphore_mem>> -> memref<1x!tpu.dma_semaphore, #tpu.memory_space<semaphore_mem>>
    %dma_start3A_3 = tpu.memref_squeeze %dma_start3A_2 : memref<1x!tpu.dma_semaphore, #tpu.memory_space<semaphore_mem>> -> memref<!tpu.dma_semaphore, #tpu.memory_space<semaphore_mem>>
    %dma_start3A_4 = arith.constant 0 : i32
    %dma_start3A_5 = arith.constant 0 : i32
    %dma_start3A_6 = tpu.memref_slice %arg4[%dma_start3A_4, %dma_start3A_5] : memref<4096x128xf32, #tpu.memory_space<vmem_shared>> -> memref<512x128xf32, #tpu.memory_space<vmem_shared>>
    %dma_start3A_7 = arith.constant 0 : i32
    %dma_start3A_8 = tpu.memref_slice %arg1[%add3A_1, %dma_start3A_7] : memref<8192x128xf32, #tpu.memory_space<hbm>> -> memref<512x128xf32, #tpu.memory_space<hbm>>
    tpu.enqueue_dma source(%dma_start3A_8 : memref<512x128xf32, #tpu.memory_space<hbm>>) target(%dma_start3A_6 : memref<512x128xf32, #tpu.memory_space<vmem_shared>>) target_semaphore(%dma_start3A_3 : memref<!tpu.dma_semaphore, #tpu.memory_space<semaphore_mem>>)
    %add3A_9 = arith.constant 512 : i32
    %add3A_10 = arith.addi %mul3A_0, %add3A_9 : i32
    %dma_start3A_11 = arith.constant 1 : i32
    %dma_start3A_12 = tpu.memref_slice %arg7[%dma_start3A_11] : memref<8x!tpu.dma_semaphore, #tpu.memory_space<semaphore_mem>> -> memref<1x!tpu.dma_semaphore, #tpu.memory_space<semaphore_mem>>
    %dma_start3A_13 = tpu.memref_squeeze %dma_start3A_12 : memref<1x!tpu.dma_semaphore, #tpu.memory_space<semaphore_mem>> -> memref<!tpu.dma_semaphore, #tpu.memory_space<semaphore_mem>>
    %dma_start3A_14 = arith.constant 512 : i32
    %dma_start3A_15 = arith.constant 0 : i32
    %dma_start3A_16 = tpu.memref_slice %arg4[%dma_start3A_14, %dma_start3A_15] : memref<4096x128xf32, #tpu.memory_space<vmem_shared>> -> memref<512x128xf32, #tpu.memory_space<vmem_shared>>
    %dma_start3A_17 = arith.constant 0 : i32
    %dma_start3A_18 = tpu.memref_slice %arg1[%add3A_10, %dma_start3A_17] : memref<8192x128xf32, #tpu.memory_space<hbm>> -> memref<512x128xf32, #tpu.memory_space<hbm>>
    tpu.enqueue_dma source(%dma_start3A_18 : memref<512x128xf32, #tpu.memory_space<hbm>>) target(%dma_start3A_16 : memref<512x128xf32, #tpu.memory_space<vmem_shared>>) target_semaphore(%dma_start3A_13 : memref<!tpu.dma_semaphore, #tpu.memory_space<semaphore_mem>>)
    %add3A_19 = arith.constant 1024 : i32
    %add3A_20 = arith.addi %mul3A_0, %add3A_19 : i32
    %dma_start3A_21 = arith.constant 2 : i32
    %dma_start3A_22 = tpu.memref_slice %arg7[%dma_start3A_21] : memref<8x!tpu.dma_semaphore, #tpu.memory_space<semaphore_mem>> -> memref<1x!tpu.dma_semaphore, #tpu.memory_space<semaphore_mem>>
    %dma_start3A_23 = tpu.memref_squeeze %dma_start3A_22 : memref<1x!tpu.dma_semaphore, #tpu.memory_space<semaphore_mem>> -> memref<!tpu.dma_semaphore, #tpu.memory_space<semaphore_mem>>
    %dma_start3A_24 = arith.constant 1024 : i32
    %dma_start3A_25 = arith.constant 0 : i32
    %dma_start3A_26 = tpu.memref_slice %arg4[%dma_start3A_24, %dma_start3A_25] : memref<4096x128xf32, #tpu.memory_space<vmem_shared>> -> memref<512x128xf32, #tpu.memory_space<vmem_shared>>
    %dma_start3A_27 = arith.constant 0 : i32
    %dma_start3A_28 = tpu.memref_slice %arg1[%add3A_20, %dma_start3A_27] : memref<8192x128xf32, #tpu.memory_space<hbm>> -> memref<512x128xf32, #tpu.memory_space<hbm>>
    tpu.enqueue_dma source(%dma_start3A_28 : memref<512x128xf32, #tpu.memory_space<hbm>>) target(%dma_start3A_26 : memref<512x128xf32, #tpu.memory_space<vmem_shared>>) target_semaphore(%dma_start3A_23 : memref<!tpu.dma_semaphore, #tpu.memory_space<semaphore_mem>>)
    %add3A_29 = arith.constant 1536 : i32
    %add3A_30 = arith.addi %mul3A_0, %add3A_29 : i32
    %dma_start3A_31 = arith.constant 3 : i32
    %dma_start3A_32 = tpu.memref_slice %arg7[%dma_start3A_31] : memref<8x!tpu.dma_semaphore, #tpu.memory_space<semaphore_mem>> -> memref<1x!tpu.dma_semaphore, #tpu.memory_space<semaphore_mem>>
    %dma_start3A_33 = tpu.memref_squeeze %dma_start3A_32 : memref<1x!tpu.dma_semaphore, #tpu.memory_space<semaphore_mem>> -> memref<!tpu.dma_semaphore, #tpu.memory_space<semaphore_mem>>
    %dma_start3A_34 = arith.constant 1536 : i32
    %dma_start3A_35 = arith.constant 0 : i32
    %dma_start3A_36 = tpu.memref_slice %arg4[%dma_start3A_34, %dma_start3A_35] : memref<4096x128xf32, #tpu.memory_space<vmem_shared>> -> memref<512x128xf32, #tpu.memory_space<vmem_shared>>
    %dma_start3A_37 = arith.constant 0 : i32
    %dma_start3A_38 = tpu.memref_slice %arg1[%add3A_30, %dma_start3A_37] : memref<8192x128xf32, #tpu.memory_space<hbm>> -> memref<512x128xf32, #tpu.memory_space<hbm>>
    tpu.enqueue_dma source(%dma_start3A_38 : memref<512x128xf32, #tpu.memory_space<hbm>>) target(%dma_start3A_36 : memref<512x128xf32, #tpu.memory_space<vmem_shared>>) target_semaphore(%dma_start3A_33 : memref<!tpu.dma_semaphore, #tpu.memory_space<semaphore_mem>>)
    %add3A_39 = arith.constant 2048 : i32
    %add3A_40 = arith.addi %mul3A_0, %add3A_39 : i32
    %dma_start3A_41 = arith.constant 4 : i32
    %dma_start3A_42 = tpu.memref_slice %arg7[%dma_start3A_41] : memref<8x!tpu.dma_semaphore, #tpu.memory_space<semaphore_mem>> -> memref<1x!tpu.dma_semaphore, #tpu.memory_space<semaphore_mem>>
    %dma_start3A_43 = tpu.memref_squeeze %dma_start3A_42 : memref<1x!tpu.dma_semaphore, #tpu.memory_space<semaphore_mem>> -> memref<!tpu.dma_semaphore, #tpu.memory_space<semaphore_mem>>
    %dma_start3A_44 = arith.constant 2048 : i32
    %dma_start3A_45 = arith.constant 0 : i32
    %dma_start3A_46 = tpu.memref_slice %arg4[%dma_start3A_44, %dma_start3A_45] : memref<4096x128xf32, #tpu.memory_space<vmem_shared>> -> memref<512x128xf32, #tpu.memory_space<vmem_shared>>
    %dma_start3A_47 = arith.constant 0 : i32
    %dma_start3A_48 = tpu.memref_slice %arg1[%add3A_40, %dma_start3A_47] : memref<8192x128xf32, #tpu.memory_space<hbm>> -> memref<512x128xf32, #tpu.memory_space<hbm>>
    tpu.enqueue_dma source(%dma_start3A_48 : memref<512x128xf32, #tpu.memory_space<hbm>>) target(%dma_start3A_46 : memref<512x128xf32, #tpu.memory_space<vmem_shared>>) target_semaphore(%dma_start3A_43 : memref<!tpu.dma_semaphore, #tpu.memory_space<semaphore_mem>>)
    %add3A_49 = arith.constant 2560 : i32
    %add3A_50 = arith.addi %mul3A_0, %add3A_49 : i32
    %dma_start3A_51 = arith.constant 5 : i32
    %dma_start3A_52 = tpu.memref_slice %arg7[%dma_start3A_51] : memref<8x!tpu.dma_semaphore, #tpu.memory_space<semaphore_mem>> -> memref<1x!tpu.dma_semaphore, #tpu.memory_space<semaphore_mem>>
    %dma_start3A_53 = tpu.memref_squeeze %dma_start3A_52 : memref<1x!tpu.dma_semaphore, #tpu.memory_space<semaphore_mem>> -> memref<!tpu.dma_semaphore, #tpu.memory_space<semaphore_mem>>
    %dma_start3A_54 = arith.constant 2560 : i32
    %dma_start3A_55 = arith.constant 0 : i32
    %dma_start3A_56 = tpu.memref_slice %arg4[%dma_start3A_54, %dma_start3A_55] : memref<4096x128xf32, #tpu.memory_space<vmem_shared>> -> memref<512x128xf32, #tpu.memory_space<vmem_shared>>
    %dma_start3A_57 = arith.constant 0 : i32
    %dma_start3A_58 = tpu.memref_slice %arg1[%add3A_50, %dma_start3A_57] : memref<8192x128xf32, #tpu.memory_space<hbm>> -> memref<512x128xf32, #tpu.memory_space<hbm>>
    tpu.enqueue_dma source(%dma_start3A_58 : memref<512x128xf32, #tpu.memory_space<hbm>>) target(%dma_start3A_56 : memref<512x128xf32, #tpu.memory_space<vmem_shared>>) target_semaphore(%dma_start3A_53 : memref<!tpu.dma_semaphore, #tpu.memory_space<semaphore_mem>>)
    %add3A_59 = arith.constant 3072 : i32
    %add3A_60 = arith.addi %mul3A_0, %add3A_59 : i32
    %dma_start3A_61 = arith.constant 6 : i32
    %dma_start3A_62 = tpu.memref_slice %arg7[%dma_start3A_61] : memref<8x!tpu.dma_semaphore, #tpu.memory_space<semaphore_mem>> -> memref<1x!tpu.dma_semaphore, #tpu.memory_space<semaphore_mem>>
    %dma_start3A_63 = tpu.memref_squeeze %dma_start3A_62 : memref<1x!tpu.dma_semaphore, #tpu.memory_space<semaphore_mem>> -> memref<!tpu.dma_semaphore, #tpu.memory_space<semaphore_mem>>
    %dma_start3A_64 = arith.constant 3072 : i32
    %dma_start3A_65 = arith.constant 0 : i32
    %dma_start3A_66 = tpu.memref_slice %arg4[%dma_start3A_64, %dma_start3A_65] : memref<4096x128xf32, #tpu.memory_space<vmem_shared>> -> memref<512x128xf32, #tpu.memory_space<vmem_shared>>
    %dma_start3A_67 = arith.constant 0 : i32
    %dma_start3A_68 = tpu.memref_slice %arg1[%add3A_60, %dma_start3A_67] : memref<8192x128xf32, #tpu.memory_space<hbm>> -> memref<512x128xf32, #tpu.memory_space<hbm>>
    tpu.enqueue_dma source(%dma_start3A_68 : memref<512x128xf32, #tpu.memory_space<hbm>>) target(%dma_start3A_66 : memref<512x128xf32, #tpu.memory_space<vmem_shared>>) target_semaphore(%dma_start3A_63 : memref<!tpu.dma_semaphore, #tpu.memory_space<semaphore_mem>>)
    %add3A_69 = arith.constant 3584 : i32
    %add3A_70 = arith.addi %mul3A_0, %add3A_69 : i32
    %dma_start3A_71 = arith.constant 7 : i32
    %dma_start3A_72 = tpu.memref_slice %arg7[%dma_start3A_71] : memref<8x!tpu.dma_semaphore, #tpu.memory_space<semaphore_mem>> -> memref<1x!tpu.dma_semaphore, #tpu.memory_space<semaphore_mem>>
    %dma_start3A_73 = tpu.memref_squeeze %dma_start3A_72 : memref<1x!tpu.dma_semaphore, #tpu.memory_space<semaphore_mem>> -> memref<!tpu.dma_semaphore, #tpu.memory_space<semaphore_mem>>
    %dma_start3A_74 = arith.constant 3584 : i32
    %dma_start3A_75 = arith.constant 0 : i32
    %dma_start3A_76 = tpu.memref_slice %arg4[%dma_start3A_74, %dma_start3A_75] : memref<4096x128xf32, #tpu.memory_space<vmem_shared>> -> memref<512x128xf32, #tpu.memory_space<vmem_shared>>
    %dma_start3A_77 = arith.constant 0 : i32
    %dma_start3A_78 = tpu.memref_slice %arg1[%add3A_70, %dma_start3A_77] : memref<8192x128xf32, #tpu.memory_space<hbm>> -> memref<512x128xf32, #tpu.memory_space<hbm>>
    tpu.enqueue_dma source(%dma_start3A_78 : memref<512x128xf32, #tpu.memory_space<hbm>>) target(%dma_start3A_76 : memref<512x128xf32, #tpu.memory_space<vmem_shared>>) target_semaphore(%dma_start3A_73 : memref<!tpu.dma_semaphore, #tpu.memory_space<semaphore_mem>>)
    %dma_wait3A = arith.constant 0 : i32
    %dma_wait3A_79 = tpu.memref_slice %arg7[%dma_wait3A] : memref<8x!tpu.dma_semaphore, #tpu.memory_space<semaphore_mem>> -> memref<1x!tpu.dma_semaphore, #tpu.memory_space<semaphore_mem>>
    %dma_wait3A_80 = tpu.memref_squeeze %dma_wait3A_79 : memref<1x!tpu.dma_semaphore, #tpu.memory_space<semaphore_mem>> -> memref<!tpu.dma_semaphore, #tpu.memory_space<semaphore_mem>>
    %dma_wait3A_81 = arith.constant 0 : i32
    %dma_wait3A_82 = arith.constant 0 : i32
    %dma_wait3A_83 = tpu.memref_slice %arg4[%dma_wait3A_81, %dma_wait3A_82] : memref<4096x128xf32, #tpu.memory_space<vmem_shared>> -> memref<512x128xf32, #tpu.memory_space<vmem_shared>>
    %dma_wait3A_84 = arith.constant 0 : i32
    %dma_wait3A_85 = tpu.memref_slice %arg1[%add3A_1, %dma_wait3A_84] : memref<8192x128xf32, #tpu.memory_space<hbm>> -> memref<512x128xf32, #tpu.memory_space<hbm>>
    tpu.wait_dma2 semaphore(%dma_wait3A_80 : memref<!tpu.dma_semaphore, #tpu.memory_space<semaphore_mem>>) src(%dma_wait3A_85 : memref<512x128xf32, #tpu.memory_space<hbm>>) dst(%dma_wait3A_83 : memref<512x128xf32, #tpu.memory_space<vmem_shared>>)
    %add3A_86 = arith.constant 0 : i32
    %add3A_87 = arith.addi %mul3A_0, %add3A_86 : i32
    %dma_start3A_88 = arith.constant 0 : i32
    %dma_start3A_89 = tpu.memref_slice %arg3[%add3A_87, %dma_start3A_88] : memref<8192x128xf32, #tpu.memory_space<hbm>> -> memref<512x128xf32, #tpu.memory_space<hbm>>
    %dma_start3A_90 = arith.constant 0 : i32
    %dma_start3A_91 = arith.constant 0 : i32
    %dma_start3A_92 = tpu.memref_slice %arg4[%dma_start3A_90, %dma_start3A_91] : memref<4096x128xf32, #tpu.memory_space<vmem_shared>> -> memref<512x128xf32, #tpu.memory_space<vmem_shared>>
    tpu.enqueue_dma source(%dma_start3A_92 : memref<512x128xf32, #tpu.memory_space<vmem_shared>>) target(%dma_start3A_89 : memref<512x128xf32, #tpu.memory_space<hbm>>) target_semaphore(%arg8 : memref<!tpu.dma_semaphore, #tpu.memory_space<semaphore_mem>>)
    %dma_wait3A_93 = arith.constant 1 : i32
    %dma_wait3A_94 = tpu.memref_slice %arg7[%dma_wait3A_93] : memref<8x!tpu.dma_semaphore, #tpu.memory_space<semaphore_mem>> -> memref<1x!tpu.dma_semaphore, #tpu.memory_space<semaphore_mem>>
    %dma_wait3A_95 = tpu.memref_squeeze %dma_wait3A_94 : memref<1x!tpu.dma_semaphore, #tpu.memory_space<semaphore_mem>> -> memref<!tpu.dma_semaphore, #tpu.memory_space<semaphore_mem>>
    %dma_wait3A_96 = arith.constant 512 : i32
    %dma_wait3A_97 = arith.constant 0 : i32
    %dma_wait3A_98 = tpu.memref_slice %arg4[%dma_wait3A_96, %dma_wait3A_97] : memref<4096x128xf32, #tpu.memory_space<vmem_shared>> -> memref<512x128xf32, #tpu.memory_space<vmem_shared>>
    %dma_wait3A_99 = arith.constant 0 : i32
    %dma_wait3A_100 = tpu.memref_slice %arg1[%add3A_10, %dma_wait3A_99] : memref<8192x128xf32, #tpu.memory_space<hbm>> -> memref<512x128xf32, #tpu.memory_space<hbm>>
    tpu.wait_dma2 semaphore(%dma_wait3A_95 : memref<!tpu.dma_semaphore, #tpu.memory_space<semaphore_mem>>) src(%dma_wait3A_100 : memref<512x128xf32, #tpu.memory_space<hbm>>) dst(%dma_wait3A_98 : memref<512x128xf32, #tpu.memory_space<vmem_shared>>)
    %add3A_101 = arith.constant 512 : i32
    %add3A_102 = arith.addi %mul3A_0, %add3A_101 : i32
    %dma_start3A_103 = arith.constant 0 : i32
    %dma_start3A_104 = tpu.memref_slice %arg3[%add3A_102, %dma_start3A_103] : memref<8192x128xf32, #tpu.memory_space<hbm>> -> memref<512x128xf32, #tpu.memory_space<hbm>>
    %dma_start3A_105 = arith.constant 512 : i32
    %dma_start3A_106 = arith.constant 0 : i32
    %dma_start3A_107 = tpu.memref_slice %arg4[%dma_start3A_105, %dma_start3A_106] : memref<4096x128xf32, #tpu.memory_space<vmem_shared>> -> memref<512x128xf32, #tpu.memory_space<vmem_shared>>
    tpu.enqueue_dma source(%dma_start3A_107 : memref<512x128xf32, #tpu.memory_space<vmem_shared>>) target(%dma_start3A_104 : memref<512x128xf32, #tpu.memory_space<hbm>>) target_semaphore(%arg8 : memref<!tpu.dma_semaphore, #tpu.memory_space<semaphore_mem>>)
    %dma_wait3A_108 = arith.constant 2 : i32
    %dma_wait3A_109 = tpu.memref_slice %arg7[%dma_wait3A_108] : memref<8x!tpu.dma_semaphore, #tpu.memory_space<semaphore_mem>> -> memref<1x!tpu.dma_semaphore, #tpu.memory_space<semaphore_mem>>
    %dma_wait3A_110 = tpu.memref_squeeze %dma_wait3A_109 : memref<1x!tpu.dma_semaphore, #tpu.memory_space<semaphore_mem>> -> memref<!tpu.dma_semaphore, #tpu.memory_space<semaphore_mem>>
    %dma_wait3A_111 = arith.constant 1024 : i32
    %dma_wait3A_112 = arith.constant 0 : i32
    %dma_wait3A_113 = tpu.memref_slice %arg4[%dma_wait3A_111, %dma_wait3A_112] : memref<4096x128xf32, #tpu.memory_space<vmem_shared>> -> memref<512x128xf32, #tpu.memory_space<vmem_shared>>
    %dma_wait3A_114 = arith.constant 0 : i32
    %dma_wait3A_115 = tpu.memref_slice %arg1[%add3A_20, %dma_wait3A_114] : memref<8192x128xf32, #tpu.memory_space<hbm>> -> memref<512x128xf32, #tpu.memory_space<hbm>>
    tpu.wait_dma2 semaphore(%dma_wait3A_110 : memref<!tpu.dma_semaphore, #tpu.memory_space<semaphore_mem>>) src(%dma_wait3A_115 : memref<512x128xf32, #tpu.memory_space<hbm>>) dst(%dma_wait3A_113 : memref<512x128xf32, #tpu.memory_space<vmem_shared>>)
    %add3A_116 = arith.constant 1024 : i32
    %add3A_117 = arith.addi %mul3A_0, %add3A_116 : i32
    %dma_start3A_118 = arith.constant 0 : i32
    %dma_start3A_119 = tpu.memref_slice %arg3[%add3A_117, %dma_start3A_118] : memref<8192x128xf32, #tpu.memory_space<hbm>> -> memref<512x128xf32, #tpu.memory_space<hbm>>
    %dma_start3A_120 = arith.constant 1024 : i32
    %dma_start3A_121 = arith.constant 0 : i32
    %dma_start3A_122 = tpu.memref_slice %arg4[%dma_start3A_120, %dma_start3A_121] : memref<4096x128xf32, #tpu.memory_space<vmem_shared>> -> memref<512x128xf32, #tpu.memory_space<vmem_shared>>
    tpu.enqueue_dma source(%dma_start3A_122 : memref<512x128xf32, #tpu.memory_space<vmem_shared>>) target(%dma_start3A_119 : memref<512x128xf32, #tpu.memory_space<hbm>>) target_semaphore(%arg8 : memref<!tpu.dma_semaphore, #tpu.memory_space<semaphore_mem>>)
    %dma_wait3A_123 = arith.constant 3 : i32
    %dma_wait3A_124 = tpu.memref_slice %arg7[%dma_wait3A_123] : memref<8x!tpu.dma_semaphore, #tpu.memory_space<semaphore_mem>> -> memref<1x!tpu.dma_semaphore, #tpu.memory_space<semaphore_mem>>
    %dma_wait3A_125 = tpu.memref_squeeze %dma_wait3A_124 : memref<1x!tpu.dma_semaphore, #tpu.memory_space<semaphore_mem>> -> memref<!tpu.dma_semaphore, #tpu.memory_space<semaphore_mem>>
    %dma_wait3A_126 = arith.constant 1536 : i32
    %dma_wait3A_127 = arith.constant 0 : i32
    %dma_wait3A_128 = tpu.memref_slice %arg4[%dma_wait3A_126, %dma_wait3A_127] : memref<4096x128xf32, #tpu.memory_space<vmem_shared>> -> memref<512x128xf32, #tpu.memory_space<vmem_shared>>
    %dma_wait3A_129 = arith.constant 0 : i32
    %dma_wait3A_130 = tpu.memref_slice %arg1[%add3A_30, %dma_wait3A_129] : memref<8192x128xf32, #tpu.memory_space<hbm>> -> memref<512x128xf32, #tpu.memory_space<hbm>>
    tpu.wait_dma2 semaphore(%dma_wait3A_125 : memref<!tpu.dma_semaphore, #tpu.memory_space<semaphore_mem>>) src(%dma_wait3A_130 : memref<512x128xf32, #tpu.memory_space<hbm>>) dst(%dma_wait3A_128 : memref<512x128xf32, #tpu.memory_space<vmem_shared>>)
    %add3A_131 = arith.constant 1536 : i32
    %add3A_132 = arith.addi %mul3A_0, %add3A_131 : i32
    %dma_start3A_133 = arith.constant 0 : i32
    %dma_start3A_134 = tpu.memref_slice %arg3[%add3A_132, %dma_start3A_133] : memref<8192x128xf32, #tpu.memory_space<hbm>> -> memref<512x128xf32, #tpu.memory_space<hbm>>
    %dma_start3A_135 = arith.constant 1536 : i32
    %dma_start3A_136 = arith.constant 0 : i32
    %dma_start3A_137 = tpu.memref_slice %arg4[%dma_start3A_135, %dma_start3A_136] : memref<4096x128xf32, #tpu.memory_space<vmem_shared>> -> memref<512x128xf32, #tpu.memory_space<vmem_shared>>
    tpu.enqueue_dma source(%dma_start3A_137 : memref<512x128xf32, #tpu.memory_space<vmem_shared>>) target(%dma_start3A_134 : memref<512x128xf32, #tpu.memory_space<hbm>>) target_semaphore(%arg8 : memref<!tpu.dma_semaphore, #tpu.memory_space<semaphore_mem>>)
    %dma_wait3A_138 = arith.constant 4 : i32
    %dma_wait3A_139 = tpu.memref_slice %arg7[%dma_wait3A_138] : memref<8x!tpu.dma_semaphore, #tpu.memory_space<semaphore_mem>> -> memref<1x!tpu.dma_semaphore, #tpu.memory_space<semaphore_mem>>
    %dma_wait3A_140 = tpu.memref_squeeze %dma_wait3A_139 : memref<1x!tpu.dma_semaphore, #tpu.memory_space<semaphore_mem>> -> memref<!tpu.dma_semaphore, #tpu.memory_space<semaphore_mem>>
    %dma_wait3A_141 = arith.constant 2048 : i32
    %dma_wait3A_142 = arith.constant 0 : i32
    %dma_wait3A_143 = tpu.memref_slice %arg4[%dma_wait3A_141, %dma_wait3A_142] : memref<4096x128xf32, #tpu.memory_space<vmem_shared>> -> memref<512x128xf32, #tpu.memory_space<vmem_shared>>
    %dma_wait3A_144 = arith.constant 0 : i32
    %dma_wait3A_145 = tpu.memref_slice %arg1[%add3A_40, %dma_wait3A_144] : memref<8192x128xf32, #tpu.memory_space<hbm>> -> memref<512x128xf32, #tpu.memory_space<hbm>>
    tpu.wait_dma2 semaphore(%dma_wait3A_140 : memref<!tpu.dma_semaphore, #tpu.memory_space<semaphore_mem>>) src(%dma_wait3A_145 : memref<512x128xf32, #tpu.memory_space<hbm>>) dst(%dma_wait3A_143 : memref<512x128xf32, #tpu.memory_space<vmem_shared>>)
    %add3A_146 = arith.constant 2048 : i32
    %add3A_147 = arith.addi %mul3A_0, %add3A_146 : i32
    %dma_start3A_148 = arith.constant 0 : i32
    %dma_start3A_149 = tpu.memref_slice %arg3[%add3A_147, %dma_start3A_148] : memref<8192x128xf32, #tpu.memory_space<hbm>> -> memref<512x128xf32, #tpu.memory_space<hbm>>
    %dma_start3A_150 = arith.constant 2048 : i32
    %dma_start3A_151 = arith.constant 0 : i32
    %dma_start3A_152 = tpu.memref_slice %arg4[%dma_start3A_150, %dma_start3A_151] : memref<4096x128xf32, #tpu.memory_space<vmem_shared>> -> memref<512x128xf32, #tpu.memory_space<vmem_shared>>
    tpu.enqueue_dma source(%dma_start3A_152 : memref<512x128xf32, #tpu.memory_space<vmem_shared>>) target(%dma_start3A_149 : memref<512x128xf32, #tpu.memory_space<hbm>>) target_semaphore(%arg8 : memref<!tpu.dma_semaphore, #tpu.memory_space<semaphore_mem>>)
    %dma_wait3A_153 = arith.constant 5 : i32
    %dma_wait3A_154 = tpu.memref_slice %arg7[%dma_wait3A_153] : memref<8x!tpu.dma_semaphore, #tpu.memory_space<semaphore_mem>> -> memref<1x!tpu.dma_semaphore, #tpu.memory_space<semaphore_mem>>
    %dma_wait3A_155 = tpu.memref_squeeze %dma_wait3A_154 : memref<1x!tpu.dma_semaphore, #tpu.memory_space<semaphore_mem>> -> memref<!tpu.dma_semaphore, #tpu.memory_space<semaphore_mem>>
    %dma_wait3A_156 = arith.constant 2560 : i32
    %dma_wait3A_157 = arith.constant 0 : i32
    %dma_wait3A_158 = tpu.memref_slice %arg4[%dma_wait3A_156, %dma_wait3A_157] : memref<4096x128xf32, #tpu.memory_space<vmem_shared>> -> memref<512x128xf32, #tpu.memory_space<vmem_shared>>
    %dma_wait3A_159 = arith.constant 0 : i32
    %dma_wait3A_160 = tpu.memref_slice %arg1[%add3A_50, %dma_wait3A_159] : memref<8192x128xf32, #tpu.memory_space<hbm>> -> memref<512x128xf32, #tpu.memory_space<hbm>>
    tpu.wait_dma2 semaphore(%dma_wait3A_155 : memref<!tpu.dma_semaphore, #tpu.memory_space<semaphore_mem>>) src(%dma_wait3A_160 : memref<512x128xf32, #tpu.memory_space<hbm>>) dst(%dma_wait3A_158 : memref<512x128xf32, #tpu.memory_space<vmem_shared>>)
    %add3A_161 = arith.constant 2560 : i32
    %add3A_162 = arith.addi %mul3A_0, %add3A_161 : i32
    %dma_start3A_163 = arith.constant 0 : i32
    %dma_start3A_164 = tpu.memref_slice %arg3[%add3A_162, %dma_start3A_163] : memref<8192x128xf32, #tpu.memory_space<hbm>> -> memref<512x128xf32, #tpu.memory_space<hbm>>
    %dma_start3A_165 = arith.constant 2560 : i32
    %dma_start3A_166 = arith.constant 0 : i32
    %dma_start3A_167 = tpu.memref_slice %arg4[%dma_start3A_165, %dma_start3A_166] : memref<4096x128xf32, #tpu.memory_space<vmem_shared>> -> memref<512x128xf32, #tpu.memory_space<vmem_shared>>
    tpu.enqueue_dma source(%dma_start3A_167 : memref<512x128xf32, #tpu.memory_space<vmem_shared>>) target(%dma_start3A_164 : memref<512x128xf32, #tpu.memory_space<hbm>>) target_semaphore(%arg8 : memref<!tpu.dma_semaphore, #tpu.memory_space<semaphore_mem>>)
    %dma_wait3A_168 = arith.constant 6 : i32
    %dma_wait3A_169 = tpu.memref_slice %arg7[%dma_wait3A_168] : memref<8x!tpu.dma_semaphore, #tpu.memory_space<semaphore_mem>> -> memref<1x!tpu.dma_semaphore, #tpu.memory_space<semaphore_mem>>
    %dma_wait3A_170 = tpu.memref_squeeze %dma_wait3A_169 : memref<1x!tpu.dma_semaphore, #tpu.memory_space<semaphore_mem>> -> memref<!tpu.dma_semaphore, #tpu.memory_space<semaphore_mem>>
    %dma_wait3A_171 = arith.constant 3072 : i32
    %dma_wait3A_172 = arith.constant 0 : i32
    %dma_wait3A_173 = tpu.memref_slice %arg4[%dma_wait3A_171, %dma_wait3A_172] : memref<4096x128xf32, #tpu.memory_space<vmem_shared>> -> memref<512x128xf32, #tpu.memory_space<vmem_shared>>
    %dma_wait3A_174 = arith.constant 0 : i32
    %dma_wait3A_175 = tpu.memref_slice %arg1[%add3A_60, %dma_wait3A_174] : memref<8192x128xf32, #tpu.memory_space<hbm>> -> memref<512x128xf32, #tpu.memory_space<hbm>>
    tpu.wait_dma2 semaphore(%dma_wait3A_170 : memref<!tpu.dma_semaphore, #tpu.memory_space<semaphore_mem>>) src(%dma_wait3A_175 : memref<512x128xf32, #tpu.memory_space<hbm>>) dst(%dma_wait3A_173 : memref<512x128xf32, #tpu.memory_space<vmem_shared>>)
    %add3A_176 = arith.constant 3072 : i32
    %add3A_177 = arith.addi %mul3A_0, %add3A_176 : i32
    %dma_start3A_178 = arith.constant 0 : i32
    %dma_start3A_179 = tpu.memref_slice %arg3[%add3A_177, %dma_start3A_178] : memref<8192x128xf32, #tpu.memory_space<hbm>> -> memref<512x128xf32, #tpu.memory_space<hbm>>
    %dma_start3A_180 = arith.constant 3072 : i32
    %dma_start3A_181 = arith.constant 0 : i32
    %dma_start3A_182 = tpu.memref_slice %arg4[%dma_start3A_180, %dma_start3A_181] : memref<4096x128xf32, #tpu.memory_space<vmem_shared>> -> memref<512x128xf32, #tpu.memory_space<vmem_shared>>
    tpu.enqueue_dma source(%dma_start3A_182 : memref<512x128xf32, #tpu.memory_space<vmem_shared>>) target(%dma_start3A_179 : memref<512x128xf32, #tpu.memory_space<hbm>>) target_semaphore(%arg8 : memref<!tpu.dma_semaphore, #tpu.memory_space<semaphore_mem>>)
    %dma_wait3A_183 = arith.constant 7 : i32
    %dma_wait3A_184 = tpu.memref_slice %arg7[%dma_wait3A_183] : memref<8x!tpu.dma_semaphore, #tpu.memory_space<semaphore_mem>> -> memref<1x!tpu.dma_semaphore, #tpu.memory_space<semaphore_mem>>
    %dma_wait3A_185 = tpu.memref_squeeze %dma_wait3A_184 : memref<1x!tpu.dma_semaphore, #tpu.memory_space<semaphore_mem>> -> memref<!tpu.dma_semaphore, #tpu.memory_space<semaphore_mem>>
    %dma_wait3A_186 = arith.constant 3584 : i32
    %dma_wait3A_187 = arith.constant 0 : i32
    %dma_wait3A_188 = tpu.memref_slice %arg4[%dma_wait3A_186, %dma_wait3A_187] : memref<4096x128xf32, #tpu.memory_space<vmem_shared>> -> memref<512x128xf32, #tpu.memory_space<vmem_shared>>
    %dma_wait3A_189 = arith.constant 0 : i32
    %dma_wait3A_190 = tpu.memref_slice %arg1[%add3A_70, %dma_wait3A_189] : memref<8192x128xf32, #tpu.memory_space<hbm>> -> memref<512x128xf32, #tpu.memory_space<hbm>>
    tpu.wait_dma2 semaphore(%dma_wait3A_185 : memref<!tpu.dma_semaphore, #tpu.memory_space<semaphore_mem>>) src(%dma_wait3A_190 : memref<512x128xf32, #tpu.memory_space<hbm>>) dst(%dma_wait3A_188 : memref<512x128xf32, #tpu.memory_space<vmem_shared>>)
    %add3A_191 = arith.constant 3584 : i32
    %add3A_192 = arith.addi %mul3A_0, %add3A_191 : i32
    %dma_start3A_193 = arith.constant 0 : i32
    %dma_start3A_194 = tpu.memref_slice %arg3[%add3A_192, %dma_start3A_193] : memref<8192x128xf32, #tpu.memory_space<hbm>> -> memref<512x128xf32, #tpu.memory_space<hbm>>
    %dma_start3A_195 = arith.constant 3584 : i32
    %dma_start3A_196 = arith.constant 0 : i32
    %dma_start3A_197 = tpu.memref_slice %arg4[%dma_start3A_195, %dma_start3A_196] : memref<4096x128xf32, #tpu.memory_space<vmem_shared>> -> memref<512x128xf32, #tpu.memory_space<vmem_shared>>
    tpu.enqueue_dma source(%dma_start3A_197 : memref<512x128xf32, #tpu.memory_space<vmem_shared>>) target(%dma_start3A_194 : memref<512x128xf32, #tpu.memory_space<hbm>>) target_semaphore(%arg8 : memref<!tpu.dma_semaphore, #tpu.memory_space<semaphore_mem>>)
    %dma_wait3A_198 = arith.constant 0 : i32
    %dma_wait3A_199 = tpu.memref_slice %arg3[%add3A_87, %dma_wait3A_198] : memref<8192x128xf32, #tpu.memory_space<hbm>> -> memref<512x128xf32, #tpu.memory_space<hbm>>
    %dma_wait3A_200 = arith.constant 0 : i32
    %dma_wait3A_201 = arith.constant 0 : i32
    %dma_wait3A_202 = tpu.memref_slice %arg4[%dma_wait3A_200, %dma_wait3A_201] : memref<4096x128xf32, #tpu.memory_space<vmem_shared>> -> memref<512x128xf32, #tpu.memory_space<vmem_shared>>
    tpu.wait_dma2 semaphore(%arg8 : memref<!tpu.dma_semaphore, #tpu.memory_space<semaphore_mem>>) src(%dma_wait3A_202 : memref<512x128xf32, #tpu.memory_space<vmem_shared>>) dst(%dma_wait3A_199 : memref<512x128xf32, #tpu.memory_space<hbm>>)
    %dma_wait3A_203 = arith.constant 0 : i32
    %dma_wait3A_204 = tpu.memref_slice %arg3[%add3A_102, %dma_wait3A_203] : memref<8192x128xf32, #tpu.memory_space<hbm>> -> memref<512x128xf32, #tpu.memory_space<hbm>>
    %dma_wait3A_205 = arith.constant 512 : i32
    %dma_wait3A_206 = arith.constant 0 : i32
    %dma_wait3A_207 = tpu.memref_slice %arg4[%dma_wait3A_205, %dma_wait3A_206] : memref<4096x128xf32, #tpu.memory_space<vmem_shared>> -> memref<512x128xf32, #tpu.memory_space<vmem_shared>>
    tpu.wait_dma2 semaphore(%arg8 : memref<!tpu.dma_semaphore, #tpu.memory_space<semaphore_mem>>) src(%dma_wait3A_207 : memref<512x128xf32, #tpu.memory_space<vmem_shared>>) dst(%dma_wait3A_204 : memref<512x128xf32, #tpu.memory_space<hbm>>)
    %dma_wait3A_208 = arith.constant 0 : i32
    %dma_wait3A_209 = tpu.memref_slice %arg3[%add3A_117, %dma_wait3A_208] : memref<8192x128xf32, #tpu.memory_space<hbm>> -> memref<512x128xf32, #tpu.memory_space<hbm>>
    %dma_wait3A_210 = arith.constant 1024 : i32
    %dma_wait3A_211 = arith.constant 0 : i32
    %dma_wait3A_212 = tpu.memref_slice %arg4[%dma_wait3A_210, %dma_wait3A_211] : memref<4096x128xf32, #tpu.memory_space<vmem_shared>> -> memref<512x128xf32, #tpu.memory_space<vmem_shared>>
    tpu.wait_dma2 semaphore(%arg8 : memref<!tpu.dma_semaphore, #tpu.memory_space<semaphore_mem>>) src(%dma_wait3A_212 : memref<512x128xf32, #tpu.memory_space<vmem_shared>>) dst(%dma_wait3A_209 : memref<512x128xf32, #tpu.memory_space<hbm>>)
    %dma_wait3A_213 = arith.constant 0 : i32
    %dma_wait3A_214 = tpu.memref_slice %arg3[%add3A_132, %dma_wait3A_213] : memref<8192x128xf32, #tpu.memory_space<hbm>> -> memref<512x128xf32, #tpu.memory_space<hbm>>
    %dma_wait3A_215 = arith.constant 1536 : i32
    %dma_wait3A_216 = arith.constant 0 : i32
    %dma_wait3A_217 = tpu.memref_slice %arg4[%dma_wait3A_215, %dma_wait3A_216] : memref<4096x128xf32, #tpu.memory_space<vmem_shared>> -> memref<512x128xf32, #tpu.memory_space<vmem_shared>>
    tpu.wait_dma2 semaphore(%arg8 : memref<!tpu.dma_semaphore, #tpu.memory_space<semaphore_mem>>) src(%dma_wait3A_217 : memref<512x128xf32, #tpu.memory_space<vmem_shared>>) dst(%dma_wait3A_214 : memref<512x128xf32, #tpu.memory_space<hbm>>)
    %dma_wait3A_218 = arith.constant 0 : i32
    %dma_wait3A_219 = tpu.memref_slice %arg3[%add3A_147, %dma_wait3A_218] : memref<8192x128xf32, #tpu.memory_space<hbm>> -> memref<512x128xf32, #tpu.memory_space<hbm>>
    %dma_wait3A_220 = arith.constant 2048 : i32
    %dma_wait3A_221 = arith.constant 0 : i32
    %dma_wait3A_222 = tpu.memref_slice %arg4[%dma_wait3A_220, %dma_wait3A_221] : memref<4096x128xf32, #tpu.memory_space<vmem_shared>> -> memref<512x128xf32, #tpu.memory_space<vmem_shared>>
    tpu.wait_dma2 semaphore(%arg8 : memref<!tpu.dma_semaphore, #tpu.memory_space<semaphore_mem>>) src(%dma_wait3A_222 : memref<512x128xf32, #tpu.memory_space<vmem_shared>>) dst(%dma_wait3A_219 : memref<512x128xf32, #tpu.memory_space<hbm>>)
    %dma_wait3A_223 = arith.constant 0 : i32
    %dma_wait3A_224 = tpu.memref_slice %arg3[%add3A_162, %dma_wait3A_223] : memref<8192x128xf32, #tpu.memory_space<hbm>> -> memref<512x128xf32, #tpu.memory_space<hbm>>
    %dma_wait3A_225 = arith.constant 2560 : i32
    %dma_wait3A_226 = arith.constant 0 : i32
    %dma_wait3A_227 = tpu.memref_slice %arg4[%dma_wait3A_225, %dma_wait3A_226] : memref<4096x128xf32, #tpu.memory_space<vmem_shared>> -> memref<512x128xf32, #tpu.memory_space<vmem_shared>>
    tpu.wait_dma2 semaphore(%arg8 : memref<!tpu.dma_semaphore, #tpu.memory_space<semaphore_mem>>) src(%dma_wait3A_227 : memref<512x128xf32, #tpu.memory_space<vmem_shared>>) dst(%dma_wait3A_224 : memref<512x128xf32, #tpu.memory_space<hbm>>)
    %dma_wait3A_228 = arith.constant 0 : i32
    %dma_wait3A_229 = tpu.memref_slice %arg3[%add3A_177, %dma_wait3A_228] : memref<8192x128xf32, #tpu.memory_space<hbm>> -> memref<512x128xf32, #tpu.memory_space<hbm>>
    %dma_wait3A_230 = arith.constant 3072 : i32
    %dma_wait3A_231 = arith.constant 0 : i32
    %dma_wait3A_232 = tpu.memref_slice %arg4[%dma_wait3A_230, %dma_wait3A_231] : memref<4096x128xf32, #tpu.memory_space<vmem_shared>> -> memref<512x128xf32, #tpu.memory_space<vmem_shared>>
    tpu.wait_dma2 semaphore(%arg8 : memref<!tpu.dma_semaphore, #tpu.memory_space<semaphore_mem>>) src(%dma_wait3A_232 : memref<512x128xf32, #tpu.memory_space<vmem_shared>>) dst(%dma_wait3A_229 : memref<512x128xf32, #tpu.memory_space<hbm>>)
    %dma_wait3A_233 = arith.constant 0 : i32
    %dma_wait3A_234 = tpu.memref_slice %arg3[%add3A_192, %dma_wait3A_233] : memref<8192x128xf32, #tpu.memory_space<hbm>> -> memref<512x128xf32, #tpu.memory_space<hbm>>
    %dma_wait3A_235 = arith.constant 3584 : i32
    %dma_wait3A_236 = arith.constant 0 : i32
    %dma_wait3A_237 = tpu.memref_slice %arg4[%dma_wait3A_235, %dma_wait3A_236] : memref<4096x128xf32, #tpu.memory_space<vmem_shared>> -> memref<512x128xf32, #tpu.memory_space<vmem_shared>>
    tpu.wait_dma2 semaphore(%arg8 : memref<!tpu.dma_semaphore, #tpu.memory_space<semaphore_mem>>) src(%dma_wait3A_237 : memref<512x128xf32, #tpu.memory_space<vmem_shared>>) dst(%dma_wait3A_234 : memref<512x128xf32, #tpu.memory_space<hbm>>)
    tpu.wait_dma2 semaphore(%arg9 : memref<!tpu.dma_semaphore, #tpu.memory_space<semaphore_mem>>) src(%arg2 : memref<16xi32, #tpu.memory_space<hbm>>) dst(%arg6 : memref<16xi32, #tpu.memory_space<smem>>)
    %get3A = arith.constant 0 : i32
    %get3A_238 = arith.index_cast %get3A : i32 to index
    %get3A_239 = memref.load %arg6[%get3A_238] : memref<16xi32, #tpu.memory_space<smem>>
    %add3A_240 = arith.constant 4096 : i32
    %add3A_241 = arith.addi %mul3A_0, %add3A_240 : i32
    %sub3A = arith.constant 1 : i32
    %sub3A_242 = arith.subi %add3A_241, %sub3A : i32
    %lt3A = arith.cmpi slt, %get3A_239, %sub3A_242 : i32
    %convert_element_type3A = arith.extui %lt3A : i1 to i32
    %cond3A = arith.constant 0 : i32
    %cond3A_243 = arith.cmpi ne, %convert_element_type3A, %cond3A : i32
    scf.if %cond3A_243 {
      "tpu.region"() ({
        %run_scoped3A = tpu.sem_alloc : memref<!tpu.dma_semaphore, #tpu.memory_space<semaphore_mem>>
        %dma_start3A_256 = arith.constant 0 : i32
        %dma_start3A_257 = tpu.memref_slice %arg1[%get3A_239, %dma_start3A_256] : memref<8192x128xf32, #tpu.memory_space<hbm>> -> memref<1x128xf32, #tpu.memory_space<hbm>>
        tpu.enqueue_dma source(%dma_start3A_257 : memref<1x128xf32, #tpu.memory_space<hbm>>) target(%arg5 : memref<1x128xf32, #tpu.memory_space<vmem_shared>>) target_semaphore(%run_scoped3A : memref<!tpu.dma_semaphore, #tpu.memory_space<semaphore_mem>>)
        %dma_wait3A_258 = arith.constant 0 : i32
        %dma_wait3A_259 = tpu.memref_slice %arg1[%get3A_239, %dma_wait3A_258] : memref<8192x128xf32, #tpu.memory_space<hbm>> -> memref<1x128xf32, #tpu.memory_space<hbm>>
        tpu.wait_dma2 semaphore(%run_scoped3A : memref<!tpu.dma_semaphore, #tpu.memory_space<semaphore_mem>>) src(%dma_wait3A_259 : memref<1x128xf32, #tpu.memory_space<hbm>>) dst(%arg5 : memref<1x128xf32, #tpu.memory_space<vmem_shared>>)
        tpu.yield
      }) : () -> ()
      %add3A_244 = arith.constant 1 : i32
      %add3A_245 = arith.addi %get3A_239, %add3A_244 : i32
      %max3A = arith.maxsi %add3A_245, %mul3A_0 : i32
      %add3A_246 = arith.constant 4096 : i32
      %add3A_247 = arith.addi %mul3A_0, %add3A_246 : i32
      %while3A = arith.constant 0 : i32
      %while3A_248 = arith.subi %add3A_247, %max3A : i32
      %while3A_249 = arith.addi %max3A, %while3A_248 : i32
      %while3A_250 = arith.constant 1 : i32
      %while3A_251 = arith.divsi %while3A_248, %while3A_250 : i32
      %while3A_252 = arith.muli %while3A_251, %while3A_250 : i32
      %while3A_253 = arith.addi %max3A, %while3A_252 : i32
      %while3A_254 = arith.constant 1 : i32
      scf.for %while3A_256 = %max3A to %while3A_253 step %while3A_254  : i32 {
        "tpu.region"() ({
          %run_scoped3A = tpu.sem_alloc : memref<!tpu.dma_semaphore, #tpu.memory_space<semaphore_mem>>
          %dma_start3A_257 = arith.constant 0 : i32
          %dma_start3A_258 = tpu.memref_slice %arg3[%while3A_256, %dma_start3A_257] : memref<8192x128xf32, #tpu.memory_space<hbm>> -> memref<1x128xf32, #tpu.memory_space<hbm>>
          tpu.enqueue_dma source(%arg5 : memref<1x128xf32, #tpu.memory_space<vmem_shared>>) target(%dma_start3A_258 : memref<1x128xf32, #tpu.memory_space<hbm>>) target_semaphore(%run_scoped3A : memref<!tpu.dma_semaphore, #tpu.memory_space<semaphore_mem>>)
          %dma_wait3A_259 = arith.constant 0 : i32
          %dma_wait3A_260 = tpu.memref_slice %arg3[%while3A_256, %dma_wait3A_259] : memref<8192x128xf32, #tpu.memory_space<hbm>> -> memref<1x128xf32, #tpu.memory_space<hbm>>
          tpu.wait_dma2 semaphore(%run_scoped3A : memref<!tpu.dma_semaphore, #tpu.memory_space<semaphore_mem>>) src(%arg5 : memref<1x128xf32, #tpu.memory_space<vmem_shared>>) dst(%dma_wait3A_260 : memref<1x128xf32, #tpu.memory_space<hbm>>)
          tpu.yield
        }) : () -> ()
      }
      %while3A_255 = arith.constant 1 : i32
      scf.for %while3A_256 = %while3A_253 to %while3A_249 step %while3A_255  : i32 {
        "tpu.region"() ({
          %run_scoped3A = tpu.sem_alloc : memref<!tpu.dma_semaphore, #tpu.memory_space<semaphore_mem>>
          %dma_start3A_257 = arith.constant 0 : i32
          %dma_start3A_258 = tpu.memref_slice %arg3[%while3A_256, %dma_start3A_257] : memref<8192x128xf32, #tpu.memory_space<hbm>> -> memref<1x128xf32, #tpu.memory_space<hbm>>
          tpu.enqueue_dma source(%arg5 : memref<1x128xf32, #tpu.memory_space<vmem_shared>>) target(%dma_start3A_258 : memref<1x128xf32, #tpu.memory_space<hbm>>) target_semaphore(%run_scoped3A : memref<!tpu.dma_semaphore, #tpu.memory_space<semaphore_mem>>)
          %dma_wait3A_259 = arith.constant 0 : i32
          %dma_wait3A_260 = tpu.memref_slice %arg3[%while3A_256, %dma_wait3A_259] : memref<8192x128xf32, #tpu.memory_space<hbm>> -> memref<1x128xf32, #tpu.memory_space<hbm>>
          tpu.wait_dma2 semaphore(%run_scoped3A : memref<!tpu.dma_semaphore, #tpu.memory_space<semaphore_mem>>) src(%arg5 : memref<1x128xf32, #tpu.memory_space<vmem_shared>>) dst(%dma_wait3A_260 : memref<1x128xf32, #tpu.memory_space<hbm>>)
          tpu.yield
        }) : () -> ()
      }
    } else {
    }
    return
  }
}

</mosaic_0001>

<sc_bundles>
// kernel: kernel.3.cloned.1.call-start
scs
__scs_entry_jumppad:
0x0: {  	(pc) =	sbr.rel $0x88, $3  }
0x1: {  	(tag) =	ssettag $0x0;
	lr =	simm.s32 $0x1  }
0x2: {  	[smem:$0x3F9F] =	sst lr;
	_ =	strace $0xD0000000  }
0x3: {  	_ = 	snop  }
0x4: {  	_ = 	snop  }
0x5: {  	_ = 	snop  }
0x6: {  	_ = 	snop  }
0x7: {  	_ = 	snop  }
__scs_overlays_trampoline_lowered:
0x8: {  	[smem:$0x3FAE] =	sst s0  }
0x9: {  	[smem:$0x3FAF] =	sst s1  }
0xa: {  	[smem:$0x3FB0] =	sst s2  }
0xb: {  	[smem:$0x3FB1] =	sst s3  }
0xc: {  	[smem:$0x3FB2] =	sst s4  }
0xd: {  	[smem:$0x3FB3] =	sst s5  }
0xe: {  	[smem:$0x3FB4] =	sst s6  }
0xf: {  	[smem:$0x3FB5] =	sst s7  }
0x10: {  	[smem:$0x3FB6] =	sst s8  }
0x11: {  	[smem:$0x3FB7] =	sst s9;
	s0 =	simm.s32 @!p0 $0x0  }
0x12: {  	s1 =	sld [smem:$0x3F9D];
	s0 =	simm.s32 @p0 $0x1  }
0x13: {  	[smem:$0x3FB8] =	sst s0;
	s0 =	simm.s32 @!p1 $0x0  }
0x14: {  	s2 =	sld [smem:$0x3F9C];
	s0 =	simm.s32 @p1 $0x1  }
0x15: {  	[smem:$0x3FB9] =	sst s0;
	s0 =	simm.s32 @!p2 $0x0  }
0x16: {  	s3 =	sld [smem:$0x3FDB];
	s0 =	simm.s32 @p2 $0x1  }
0x17: {  	s4 =	simm.s32 $0x1BF5;
	[smem:$0x3FBB] =	sst s0  }
0x18: {  	s0 =	sld [smem:$0x3F9E];
	_ =	swait.ge [sflag:s4], $0x0  }
0x19: {  	s7 =	sld [smem:$0x3F9F]  }
0x1a: {  	s8 =	sadd.s32 $0xFFFFE003, lr  }
0x1b: {  	s9 =	sadd.s32 $0xFFFFFEF7, lr;
	s5 =	simm.s32 $0xFFFFFFFF;
	p2 =	slt.u32 s8, $0xFFFFF086  }
0x1c: {  	p1 =	slt.u32 s9, $0xF7A;
	s5 =	simm.s32 @!p2 $0x0  }
0x1d: {  	s5 =	simm.s32 @p1 $0x1;
	p0 =	seq.s32 s7, s2  }
0x1e: {  	s7 =	smul.u32 @!p0 $0xF7A, s2;
	p2 =	seq.s32 @!p0 s5, $0x0  }
0x1f: {  	s9 =	smul.u32 $0xF7A, s1;
	s8 =	simm.s32 @!p0 $0x1BF5;
	p2 =	por !p2, p0  }
0x20: {  	[sflag:s8] =	ssyncset.s32 @!p0 $0xFFFFF086;
	s6 =	sadd.s32 @!p0 s3, s7;
	s7 =	simm.s32 @!p0 $0x108  }
0x21: {  	s3 =	sadd.s32 s3, s9;
	s6 =	sadd.s32 @!p0 $0x88, s6;
	s7 =	simm.s32 @p2 $0x1082  }
0x22: {  	[simem:s7], [sflag:s8] =	dma.local @!p0 [hbm:s6], $0xF7A  }
0x23: {  	s9 =	sor.u32 $0xD0000000, s2;
	s6 =	simm.s32 $0x108;
	_ =	swait.ge @!p0 [sflag:s8], $0x0  }
0x24: {  	s3 =	sadd.s32 $0x88, s3;
	s6 =	simm.s32 @!p1 $0x1082;
	[sflag:s4] =	ssyncset.s32 $0xFFFFF086  }
0x25: {  	[simem:s6], [sflag:s4] =	dma.local [hbm:s3], $0xF7A  }
0x26: {  	[smem:$0x3F9F] =	sst s1;
	(tag) =	ssettag s2;
	_ =	strace s9  }
0x27: {  	s1 =	sld [smem:$0x3FAF]  }
0x28: {  	s2 =	sld [smem:$0x3FB0]  }
0x29: {  	s4 =	sld [smem:$0x3FB2]  }
0x2a: {  	p0 =	seq.s32 s5, $0x0;
	s5 =	sld [smem:$0x3FB3]  }
0x2b: {  	s6 =	sld [smem:$0x3FB4]  }
0x2c: {  	s7 =	sld [smem:$0x3FB5]  }
0x2d: {  	s3 =	simm.s32 $0x108;
	s8 =	sld [smem:$0x3FB6]  }
0x2e: {  	s3 =	simm.s32 @!p0 $0x1082;
	s9 =	sld [smem:$0x3FB7]  }
0x2f: {  	lr =	sadd.s32 s0, s3;
	s0 =	sld [smem:$0x3FAE]  }
0x30: {  	s3 =	sld [smem:$0x3FB1]  }
0x31: {  	[smem:$0x3FBA] =	sst s10  }
0x32: {  	s10 =	sld [smem:$0x3FB8];
	_ =	sdelay $0x3  }
0x33: {  	p0 =	seq.s32 s10, $0x1;
	s10 =	sld [smem:$0x3FBA];
	_ =	sdelay $0x3  }
0x34: {  	[smem:$0x3FBA] =	sst s10  }
0x35: {  	s10 =	sld [smem:$0x3FB9];
	_ =	sdelay $0x3  }
0x36: {  	p1 =	seq.s32 s10, $0x1;
	s10 =	sld [smem:$0x3FBA];
	_ =	sdelay $0x3  }
0x37: {  	[smem:$0x3FBA] =	sst s10  }
0x38: {  	s10 =	sld [smem:$0x3FBB]  }
0x39: {  	_ = 	snop;
	(pc) =	sbr.ind lr, $3  }
0x3a: {  	_ = 	snop  }
0x3b: {  	_ = 	snop  }
0x3c: {  	p2 =	seq.s32 s10, $0x1;
	s10 =	sld [smem:$0x3FBA]  }
0x3d: {  	_ =	shalt  }
0x3e: {  	_ =	shalt  }
0x3f: {  	_ =	shalt  }
0x40: {  	_ =	shalt  }
0x41: {  	_ =	shalt  }
0x42: {  	_ =	shalt  }
0x43: {  	_ =	shalt  }
0x44: {  	_ =	shalt  }
0x45: {  	_ =	shalt  }
0x46: {  	_ =	shalt  }
0x47: {  	_ =	shalt  }
0x48: {  	_ =	shalt  }
0x49: {  	_ =	shalt  }
0x4a: {  	_ =	shalt  }
0x4b: {  	_ =	shalt  }
0x4c: {  	_ =	shalt  }
0x4d: {  	_ =	shalt  }
0x4e: {  	_ =	shalt  }
0x4f: {  	_ =	shalt  }
0x50: {  	_ =	shalt  }
0x51: {  	_ =	shalt  }
0x52: {  	_ =	shalt  }
0x53: {  	_ =	shalt  }
0x54: {  	_ =	shalt  }
0x55: {  	_ =	shalt  }
0x56: {  	_ =	shalt  }
0x57: {  	_ =	shalt  }
0x58: {  	_ =	shalt  }
0x59: {  	_ =	shalt  }
0x5a: {  	_ =	shalt  }
0x5b: {  	_ =	shalt  }
0x5c: {  	_ =	shalt  }
0x5d: {  	_ =	shalt  }
0x5e: {  	_ =	shalt  }
0x5f: {  	_ =	shalt  }
0x60: {  	_ =	shalt  }
0x61: {  	_ =	shalt  }
0x62: {  	_ =	shalt  }
0x63: {  	_ =	shalt  }
0x64: {  	_ =	shalt  }
0x65: {  	_ =	shalt  }
0x66: {  	_ =	shalt  }
0x67: {  	_ =	shalt  }
0x68: {  	_ =	shalt  }
0x69: {  	_ =	shalt  }
0x6a: {  	_ =	shalt  }
0x6b: {  	_ =	shalt  }
0x6c: {  	_ =	shalt  }
0x6d: {  	_ =	shalt  }
0x6e: {  	_ =	shalt  }
0x6f: {  	_ =	shalt  }
0x70: {  	_ =	shalt  }
0x71: {  	_ =	shalt  }
0x72: {  	_ =	shalt  }
0x73: {  	_ =	shalt  }
0x74: {  	_ =	shalt  }
0x75: {  	_ =	shalt  }
0x76: {  	_ =	shalt  }
0x77: {  	_ =	shalt  }
0x78: {  	_ =	shalt  }
0x79: {  	_ =	shalt  }
0x7a: {  	_ =	shalt  }
0x7b: {  	_ =	shalt  }
0x7c: {  	_ =	shalt  }
0x7d: {  	_ =	shalt  }
0x7e: {  	_ =	shalt  }
0x7f: {  	_ =	shalt  }
0x80: {  	_ =	shalt  }
0x81: {  	_ =	shalt  }
0x82: {  	_ =	shalt  }
0x83: {  	_ =	shalt  }
0x84: {  	_ =	shalt  }
0x85: {  	_ =	shalt  }
0x86: {  	_ =	shalt  }
0x87: {  	_ =	shalt  }
.Lfunc_end0:
.L_simem_size_0:
called_computation_lowered:
.L_overlay_start_0:
0x88: {  	s2 =	sld [smem:$0x3FD9]  }
0x89: {  	s3 =	sld [smem:$0x3FFE];
	_ =	sdelay $0x1  }
0x8a: {  	s1 =	srdreg.scid  }
0x8b: {  	s0 =	sand.u32 $0x1, s1  }
0x8c: {  	s28 =	sshll.u32 s0, $0xA;
	s2 =	sadd.s32 s3, s2  }
0x8d: {  	s2 =	sadd.s32 s2, s28  }
0x8e: {  	s6 =	simm.s32 $0x0;
	[smem:$0x3FC6] =	sst s2  }
0x8f: {  	[smem:$0xF] =	sst s6  }
0x90: {  	s3 =	sld [smem:$0x3FC8]  }
0x91: {  	s2 =	sld [smem:$0x3FD0];
	(tm) =	ssettm $0x1  }
0x92: {  	s4 =	sld [smem:$0x3FFB];
	_ =	sdelay $0x3  }
0x93: {  	_ =	strace s4  }
0x94: {  	s4 =	sld [smem:$0x3FFC];
	_ =	sdelay $0x3  }
0x95: {  	_ =	strace s4  }
0x96: {  	s4 =	sld [smem:$0x3FFD];
	_ =	sdelay $0x3  }
0x97: {  	_ =	strace s4  }
0x98: {  	s29 =	simm.s32 $0x1B8B;
	_ =	strace $0x8FFFFFFF  }
0x99: {  	_ =	swait.ge [sflag:s29], $0x1  }
0x9a: {  	s5 =	sld [smem:$0x3FFE]  }
0x9b: {  	s30 =	simm.s32 $0x1B8E;
	[sflag:s29] =	ssyncset.done $0x0  }
0x9c: {  	s9 =	simm.s32 $0x9;
	s31 =	sshll.u32 s0, $0x10;
	[sflag:s29] =	ssyncadd.s32 $0xFFFFFFFF  }
0x9d: {  	s8 =	sadd.s32 s31, s3;
	s4 =	simm.s32 $0x12;
	[smem:$0x3FD2] =	sst s30  }
0x9e: {  	_ =	strace $0x80000046;
	s7 =	sadd.s32 $0x400, s5;
	s5 =	simm.s32 $0x10  }
0x9f: {  	[smem:s5], [sflag:s4] =	dma.local [hbm:s7], $0x10  }
0xa0: {  	[spmem:s6], [sflag:s9] =	dma.local [hbm:s8], $0x2000  }
0xa1: {  	s8 =	sor.u32 $0x2000, s31  }
0xa2: {  	s11 =	simm.s32 $0xA;
	s12 =	simm.s32 $0x2000;
	s10 =	sadd.s32 s8, s3  }
0xa3: {  	[spmem:s12], [sflag:s11] =	dma.local [hbm:s10], $0x2000  }
0xa4: {  	s10 =	sor.u32 $0x4000, s31  }
0xa5: {  	s14 =	simm.s32 $0xB;
	s15 =	simm.s32 $0x4000;
	s13 =	sadd.s32 s10, s3  }
0xa6: {  	[spmem:s15], [sflag:s14] =	dma.local [hbm:s13], $0x2000  }
0xa7: {  	s13 =	sor.u32 $0x6000, s31  }
0xa8: {  	s17 =	simm.s32 $0xC;
	s18 =	simm.s32 $0x6000;
	s16 =	sadd.s32 s13, s3  }
0xa9: {  	[spmem:s18], [sflag:s17] =	dma.local [hbm:s16], $0x2000  }
0xaa: {  	s16 =	sor.u32 $0x8000, s31  }
0xab: {  	s20 =	simm.s32 $0xD;
	s21 =	simm.s32 $0x8000;
	s19 =	sadd.s32 s16, s3  }
0xac: {  	[spmem:s21], [sflag:s20] =	dma.local [hbm:s19], $0x2000  }
0xad: {  	s19 =	sor.u32 $0xA000, s31  }
0xae: {  	s23 =	simm.s32 $0xE;
	s24 =	simm.s32 $0xA000;
	s22 =	sadd.s32 s19, s3  }
0xaf: {  	[spmem:s24], [sflag:s23] =	dma.local [hbm:s22], $0x2000  }
0xb0: {  	s22 =	sor.u32 $0xC000, s31  }
0xb1: {  	s26 =	simm.s32 $0xF;
	s28 =	simm.s32 $0xC000;
	s25 =	sadd.s32 s22, s3  }
0xb2: {  	[spmem:s28], [sflag:s26] =	dma.local [hbm:s25], $0x2000  }
0xb3: {  	s25 =	sor.u32 $0xE000, s31  }
0xb4: {  	s30 =	simm.s32 $0xE000;
	s29 =	sadd.s32 s25, s3  }
0xb5: {  	[spmem:s30], [sflag:s5] =	dma.local [hbm:s29], $0x2000  }
0xb6: {  	_ =	swait.ge [sflag:s9], $0x2000  }
0xb7: {  	[sflag:s9] =	ssyncset.done $0x0  }
0xb8: {  	[sflag:s9] =	ssyncadd.s32 $0xFFFFE000  }
0xb9: {  	s7 =	sadd.s32 s31, s2;
	s31 =	simm.s32 $0x11  }
0xba: {  	[hbm:s7], [sflag:s31] =	dma.local [spmem:s6], $0x2000  }
0xbb: {  	_ =	swait.ge [sflag:s11], $0x2000  }
0xbc: {  	[sflag:s11] =	ssyncset.done $0x0  }
0xbd: {  	[sflag:s11] =	ssyncadd.s32 $0xFFFFE000  }
0xbe: {  	s11 =	sadd.s32 s8, s2  }
0xbf: {  	[hbm:s11], [sflag:s31] =	dma.local [spmem:s12], $0x2000  }
0xc0: {  	_ =	swait.ge [sflag:s14], $0x2000  }
0xc1: {  	[sflag:s14] =	ssyncset.done $0x0  }
0xc2: {  	[sflag:s14] =	ssyncadd.s32 $0xFFFFE000  }
0xc3: {  	s14 =	sadd.s32 s10, s2  }
0xc4: {  	[hbm:s14], [sflag:s31] =	dma.local [spmem:s15], $0x2000  }
0xc5: {  	_ =	swait.ge [sflag:s17], $0x2000  }
0xc6: {  	[sflag:s17] =	ssyncset.done $0x0  }
0xc7: {  	[sflag:s17] =	ssyncadd.s32 $0xFFFFE000  }
0xc8: {  	s17 =	sadd.s32 s13, s2  }
0xc9: {  	[hbm:s17], [sflag:s31] =	dma.local [spmem:s18], $0x2000  }
0xca: {  	_ =	swait.ge [sflag:s20], $0x2000  }
0xcb: {  	[sflag:s20] =	ssyncset.done $0x0  }
0xcc: {  	[sflag:s20] =	ssyncadd.s32 $0xFFFFE000  }
0xcd: {  	s20 =	sadd.s32 s16, s2  }
0xce: {  	[hbm:s20], [sflag:s31] =	dma.local [spmem:s21], $0x2000  }
0xcf: {  	_ =	swait.ge [sflag:s23], $0x2000  }
0xd0: {  	[sflag:s23] =	ssyncset.done $0x0  }
0xd1: {  	[sflag:s23] =	ssyncadd.s32 $0xFFFFE000  }
0xd2: {  	s23 =	sadd.s32 s19, s2  }
0xd3: {  	[hbm:s23], [sflag:s31] =	dma.local [spmem:s24], $0x2000  }
0xd4: {  	_ =	swait.ge [sflag:s26], $0x2000  }
0xd5: {  	[sflag:s26] =	ssyncset.done $0x0  }
0xd6: {  	[sflag:s26] =	ssyncadd.s32 $0xFFFFE000  }
0xd7: {  	s26 =	sadd.s32 s22, s2  }
0xd8: {  	[hbm:s26], [sflag:s31] =	dma.local [spmem:s28], $0x2000  }
0xd9: {  	_ =	swait.ge [sflag:s5], $0x2000  }
0xda: {  	[sflag:s5] =	ssyncset.done $0x0  }
0xdb: {  	[sflag:s5] =	ssyncadd.s32 $0xFFFFE000  }
0xdc: {  	s29 =	sadd.s32 s25, s2  }
0xdd: {  	[hbm:s29], [sflag:s31] =	dma.local [spmem:s30], $0x2000  }
0xde: {  	_ =	swait.ge [sflag:s31], $0x2000  }
0xdf: {  	[sflag:s31] =	ssyncset.done $0x0  }
0xe0: {  	[sflag:s31] =	ssyncadd.s32 $0xFFFFE000;
	_ =	sdelay $0x2  }
0xe1: {  	_ =	swait.ge [sflag:s31], $0x2000  }
0xe2: {  	[sflag:s31] =	ssyncset.done $0x0  }
0xe3: {  	[sflag:s31] =	ssyncadd.s32 $0xFFFFE000;
	_ =	sdelay $0x2  }
0xe4: {  	_ =	swait.ge [sflag:s31], $0x2000  }
0xe5: {  	[sflag:s31] =	ssyncset.done $0x0  }
0xe6: {  	[sflag:s31] =	ssyncadd.s32 $0xFFFFE000;
	_ =	sdelay $0x2  }
0xe7: {  	_ =	swait.ge [sflag:s31], $0x2000  }
0xe8: {  	[sflag:s31] =	ssyncset.done $0x0  }
0xe9: {  	[sflag:s31] =	ssyncadd.s32 $0xFFFFE000;
	_ =	sdelay $0x2  }
0xea: {  	_ =	swait.ge [sflag:s31], $0x2000  }
0xeb: {  	[sflag:s31] =	ssyncset.done $0x0  }
0xec: {  	[sflag:s31] =	ssyncadd.s32 $0xFFFFE000;
	_ =	sdelay $0x2  }
0xed: {  	_ =	swait.ge [sflag:s31], $0x2000  }
0xee: {  	[sflag:s31] =	ssyncset.done $0x0  }
0xef: {  	[sflag:s31] =	ssyncadd.s32 $0xFFFFE000;
	_ =	sdelay $0x2  }
0xf0: {  	_ =	swait.ge [sflag:s31], $0x2000  }
0xf1: {  	[sflag:s31] =	ssyncset.done $0x0  }
0xf2: {  	[sflag:s31] =	ssyncadd.s32 $0xFFFFE000;
	_ =	sdelay $0x2  }
0xf3: {  	_ =	swait.ge [sflag:s31], $0x2000  }
0xf4: {  	[sflag:s31] =	ssyncset.done $0x0  }
0xf5: {  	[sflag:s31] =	ssyncadd.s32 $0xFFFFE000;
	_ =	sdelay $0x2  }
0xf6: {  	_ =	swait.ge [sflag:s4], $0x10  }
0xf7: {  	[sflag:s4] =	ssyncset.done $0x0  }
0xf8: {  	[sflag:s4] =	ssyncadd.s32 $0xFFFFFFF0  }
0xf9: {  	s4 =	sld [smem:$0x10];
	_ =	sdelay $0x2  }
0xfa: {  	s31 =	sshllo.u32 s0, $0xC  }
0xfb: {  	p0 =	sge.s32 s4, s31  }
0xfc: {  	s5 =	sshll.u32 @!p0 s4, $0x4  }
0xfd: {  	s7 =	sshll.u32 s0, $0xC;
	s5 =	sand.u32 @!p0 $0x1FFFFFF0, s5  }
0xfe: {  	s6 =	simm.s32 @!p0 $0x10000;
	s5 =	sadd.s32 @!p0 s3, s5;
	s3 =	simm.s32 @!p0 $0x13  }
0xff: {  	[spmem:s6], [sflag:s3] =	dma.local @!p0 [hbm:s5], $0x10  }
0x100: {  	s5 =	sadd.s32 @!p0 $0x1, s4;
	s4 =	sadd.s32 @!p0 $0x1000, s7  }
0x101: {  	p1 =	sge.s32 @!p0 s5, s4  }
0x102: {  	p1 =	por p0, p1  }
.Ltmp0:
0x103: {  	_ = 	snop;
	(pc) =	sbr.rel @p1 .LBB1_4-.Ltmp0, $3  }
0x104: {  	_ =	swait.ge @!p0 [sflag:s3], $0x10  }
0x105: {  	[sflag:s3] =	ssyncset.done @!p0 $0x0  }
0x106: {  	[sflag:s3] =	ssyncadd.s32 @!p0 $0xFFFFFFF0  }
0x107: {  	p0 =	sgt.s32 s5, s7  }
0x108: {  	s7 =	smov.u32 @p0 s5  }
0x109: {  	s5 =	sshll.u32 s7, $0x4;
	s7 =	sadd.s32 $0x1, s7  }
0x10a: {  	s6 =	simm.s32 $0x10000;
	p0 =	slt.u32 s7, s4  }
.Ltmp1:
0x10b: {  	s2 =	sadd.s32 s5, s2;
	s5 =	simm.s32 $0x13;
	(pc) =	sbr.rel @!p0 .LBB1_3-.Ltmp1, $3  }
0x10c: {  	[hbm:s2], [sflag:s3] =	dma.local [spmem:s6], $0x10  }
0x10d: {  	_ =	swait.ge [sflag:s5], $0x10  }
0x10e: {  	[sflag:s5] =	ssyncset.done $0x0  }
.LBB1_2:
0x10f: {  	s7 =	sadd.s32 $0x1, s7  }
0x110: {  	[sflag:s5] =	ssyncadd.s32 $0xFFFFFFF0;
	s2 =	sadd.s32 $0x10, s2;
	p0 =	slt.u32 s7, s4  }
.Ltmp2:
0x111: {  	(pc) =	sbr.rel @p0 .LBB1_2-.Ltmp2, $3  }
0x112: {  	[hbm:s2], [sflag:s3] =	dma.local [spmem:s6], $0x10  }
0x113: {  	_ =	swait.ge [sflag:s5], $0x10  }
0x114: {  	[sflag:s5] =	ssyncset.done $0x0  }
.LBB1_3:
0x115: {  	[sflag:s5] =	ssyncadd.s32 $0xFFFFFFF0  }
.LBB1_4:
0x116: {  	_ =	strace $0x90000046  }
0x117: {  	_ =	sfence  }
0x118: {  	s2 =	sld [smem:$0x0];
	_ =	sdelay $0x2  }
0x119: {  	s3 =	sshll.u32 s1, $0xD;
	s31 =	sshrl.u32 s1, $0x2  }
0x11a: {  	s3 =	sand.u32 $0x4000, s3;
	s1 =	sadd.s32 s31, s2  }
0x11b: {  	s0 =	sor.u32 s3, s0;
	s1 =	sshll.u32 s1, $0x11  }
0x11c: {  	s0 =	sor.u32 s1, s0  }
0x11d: {  	s0 =	sadd.s32 $0x8F2B, s0;
	(pc) =	sbr.abs _section_cstart, $3  }
0x11e: {  	[sflag:s0] =	ssyncadd.remote.s32 $0x1  }
0x11f: {  	_ =	strace $0x9FFFFFFF  }
0x120: {  	(tm) =	ssettm $0x7FFFFFFF  }
0x121: {  	_ =	shalt  }

</sc_bundles>
